<compile_context>
chip_gen: v7x
topology: tpu7x:2x2x1
jax: 0.10.2.dev20260603
libtpu: 0.0.44.dev20260713+nightly
codegen_flags: <defaults>
</compile_context>

<pallas_src>
import jax
import jax.numpy as jnp
from jax.experimental import pallas as pl
from jax.experimental.pallas import tpu as pltpu

_N = 64
_B = 512
_F = 512
_Z = 256
_BB = 8


def _roll_sum(h):
    left = jnp.concatenate([h[1:], h[:1]], axis=0)
    right = jnp.concatenate([h[-1:], h[:-1]], axis=0)
    return left + right


def _net_kernel(x_ref, eps_ref,
                e0s, e0n, e0b, e1s, e1n, e1b, e2s, e2n, e2b,
                wmu, bmu, wlv, blv,
                d0s, d0n, d0b, d1s, d1n, d1b, d2s, d2n, d2b,
                wdm, bdm, wds, bds,
                out_ref):
    n, b, f = x_ref.shape
    m = n * b

    def mm(a, w_ref):
        return jnp.dot(a.astype(jnp.bfloat16), w_ref[...],
                       preferred_element_type=jnp.float32)

    def gnn(h, ws, wn, bias):
        k = h.shape[-1]
        s = _roll_sum(h) * 0.5
        y = mm(h.reshape(m, k), ws) + mm(s.reshape(m, k), wn)
        y = jnp.maximum(y + bias[...], 0.0)
        return y.reshape(n, b, y.shape[-1])

    h = x_ref[...]
    h = gnn(h, e0s, e0n, e0b)
    h = gnn(h, e1s, e1n, e1b)
    h = gnn(h, e2s, e2n, e2b)

    h2 = h.reshape(m, h.shape[-1])
    mu = mm(h2, wmu) + bmu[...]
    lv = mm(h2, wlv) + blv[...]
    z = mu + jnp.exp(0.5 * lv) * eps_ref[...].reshape(m, _Z)
    h = z.reshape(n, b, _Z)

    h = gnn(h, d0s, d0n, d0b)
    h = gnn(h, d1s, d1n, d1b)
    h = gnn(h, d2s, d2n, d2b)

    h2 = h.reshape(m, h.shape[-1])
    dmu = mm(h2, wdm) + bdm[...]
    dsg = jax.nn.softplus(mm(h2, wds) + bds[...])
    out_ref[...] = jnp.exp(dmu + 0.5 * dsg * dsg).reshape(n, b, f)


def _pad2(w, rows, cols):
    r, c = w.shape
    return jnp.pad(w, ((0, rows - r), (0, cols - c)))


def _pad_b(v, cols):
    return jnp.pad(v, (0, cols - v.shape[0])).reshape(1, cols)


def _split_gnn_w(w, fin, fin_pad, fout_pad):
    ws = _pad2(w[:fin], fin_pad, fout_pad)
    wn = _pad2(w[fin:], fin_pad, fout_pad)
    return ws, wn


def kernel(x, enc_W0, enc_b0, enc_W1, enc_b1, enc_W2, enc_b2,
           venc_Wmu, venc_bmu, venc_Wlv, venc_blv,
           dec_W0, dec_b0, dec_W1, dec_b1, dec_W2, dec_b2,
           vdec_Wmu, vdec_bmu, vdec_Wsig, vdec_bsig):
    bsz = x.shape[0]

    es = [512, 426, 341, 256]
    ep = [512, 512, 384, 256]
    ds = [256, 341, 426, 512]
    dp = [256, 384, 512, 512]

    e0s_, e0n_ = _split_gnn_w(enc_W0, es[0], ep[0], ep[1])
    e1s_, e1n_ = _split_gnn_w(enc_W1, es[1], ep[1], ep[2])
    e2s_, e2n_ = _split_gnn_w(enc_W2, es[2], ep[2], ep[3])
    d0s_, d0n_ = _split_gnn_w(dec_W0, ds[0], dp[0], dp[1])
    d1s_, d1n_ = _split_gnn_w(dec_W1, ds[1], dp[1], dp[2])
    d2s_, d2n_ = _split_gnn_w(dec_W2, ds[2], dp[2], dp[3])

    weights = [
        e0s_, e0n_, _pad_b(enc_b0, ep[1]),
        e1s_, e1n_, _pad_b(enc_b1, ep[2]),
        e2s_, e2n_, _pad_b(enc_b2, ep[3]),
        venc_Wmu, venc_bmu.reshape(1, _Z), venc_Wlv, venc_blv.reshape(1, _Z),
        d0s_, d0n_, _pad_b(dec_b0, dp[1]),
        d1s_, d1n_, _pad_b(dec_b1, dp[2]),
        d2s_, d2n_, _pad_b(dec_b2, dp[3]),
        vdec_Wmu, vdec_bmu.reshape(1, _F), vdec_Wsig, vdec_bsig.reshape(1, _F),
    ]

    weights = [w.astype(jnp.bfloat16) if w.ndim == 2 and w.shape[0] > 1 else w
               for w in weights]
    eps = jax.random.normal(jax.random.key(42), (bsz, _N, _Z), dtype=jnp.float32)
    xT = jnp.transpose(x, (1, 0, 2))
    epsT = jnp.transpose(eps, (1, 0, 2))

    grid = (bsz // _BB,)
    w_specs = [pl.BlockSpec(w.shape, lambda i: (0, 0)) for w in weights]
    outT = pl.pallas_call(
        _net_kernel,
        grid=grid,
        in_specs=[
            pl.BlockSpec((_N, _BB, _F), lambda i: (0, i, 0)),
            pl.BlockSpec((_N, _BB, _Z), lambda i: (0, i, 0)),
            *w_specs,
        ],
        out_specs=pl.BlockSpec((_N, _BB, _F), lambda i: (0, i, 0)),
        out_shape=jax.ShapeDtypeStruct((_N, bsz, _F), jnp.float32),
        compiler_params=pltpu.CompilerParams(
            dimension_semantics=("parallel",),
        ),
    )(xT, epsT, *weights)
    return jnp.transpose(outT, (1, 0, 2))

# --- scband reference (transcript-rebuilt; emitter-appended) ---
"""Pipeline reference for scband-gnnvaemodel-74423193305667 (READ-ONLY COPY).

The authoritative reference and input builder live on the scoring server;
editing this copy changes nothing except your own understanding.
"""

import jax, jax.numpy as jnp
import numpy as np

N = 64
B = 512
F = 512
SIZES = [512, 426, 341, 256]
ADJ = jnp.array([[(i - 1) % N, (i + 1) % N] for i in range(N)], dtype=jnp.int32)


def _init_linear(key, fan_in, fan_out):
    return jax.random.normal(key, (fan_in, fan_out), dtype=jnp.float32) / np.sqrt(fan_in)


def setup_inputs(seed: int = 0) -> dict:
    key = jax.random.key(seed)
    ks = jax.random.split(key, 16)
    inp = {}
    inp["x"] = jax.random.normal(ks[0], (B, N, F), dtype=jnp.float32)
    k = 1
    for li in range(3):
        fi, fo = 2 * SIZES[li], SIZES[li + 1]
        inp[f"enc_W{li}"] = _init_linear(ks[k], fi, fo); k += 1
        inp[f"enc_b{li}"] = jnp.zeros((fo,), dtype=jnp.float32)
    inp["venc_Wmu"] = _init_linear(ks[k], SIZES[-1], SIZES[-1]); k += 1
    inp["venc_bmu"] = jnp.zeros((SIZES[-1],), dtype=jnp.float32)
    inp["venc_Wlv"] = _init_linear(ks[k], SIZES[-1], SIZES[-1]); k += 1
    inp["venc_blv"] = jnp.zeros((SIZES[-1],), dtype=jnp.float32)
    dsizes = SIZES[::-1]
    for li in range(3):
        fi, fo = 2 * dsizes[li], dsizes[li + 1]
        inp[f"dec_W{li}"] = _init_linear(ks[k], fi, fo); k += 1
        inp[f"dec_b{li}"] = jnp.zeros((fo,), dtype=jnp.float32)
    inp["vdec_Wmu"] = _init_linear(ks[k], F, F); k += 1
    inp["vdec_bmu"] = jnp.zeros((F,), dtype=jnp.float32)
    inp["vdec_Wsig"] = _init_linear(ks[k], F, F); k += 1
    inp["vdec_bsig"] = jnp.zeros((F,), dtype=jnp.float32)
    return inp


def _gnn(h, Ws, bs):
    # IntersectionGNN layer: gather neighbor features via adj_list, mean-aggregate,
    # concat with self features, linear + relu.
    for W, b in zip(Ws, bs):
        agg = jnp.mean(h[:, ADJ, :], axis=2)
        h = jax.nn.relu(jnp.concatenate([h, agg], axis=-1) @ W + b)
    return h


def reference(x, enc_W0, enc_b0, enc_W1, enc_b1, enc_W2, enc_b2,
              venc_Wmu, venc_bmu, venc_Wlv, venc_blv,
              dec_W0, dec_b0, dec_W1, dec_b1, dec_W2, dec_b2,
              vdec_Wmu, vdec_bmu, vdec_Wsig, vdec_bsig):
    p = {
        "enc_W0": enc_W0, "enc_b0": enc_b0,
        "enc_W1": enc_W1, "enc_b1": enc_b1,
        "enc_W2": enc_W2, "enc_b2": enc_b2,
        "venc_Wmu": venc_Wmu, "venc_bmu": venc_bmu,
        "venc_Wlv": venc_Wlv, "venc_blv": venc_blv,
        "dec_W0": dec_W0, "dec_b0": dec_b0,
        "dec_W1": dec_W1, "dec_b1": dec_b1,
        "dec_W2": dec_W2, "dec_b2": dec_b2,
        "vdec_Wmu": vdec_Wmu, "vdec_bmu": vdec_bmu,
        "vdec_Wsig": vdec_Wsig, "vdec_bsig": vdec_bsig,
    }
    # encoder GNN
    h = _gnn(x, [p["enc_W0"], p["enc_W1"], p["enc_W2"]], [p["enc_b0"], p["enc_b1"], p["enc_b2"]])
    # variational encoder layer (Gaussian reparameterization, fixed eps for determinism)
    mu = h @ p["venc_Wmu"] + p["venc_bmu"]
    logvar = h @ p["venc_Wlv"] + p["venc_blv"]
    eps = jax.random.normal(jax.random.key(42), mu.shape, dtype=jnp.float32)
    z = mu + jnp.exp(0.5 * logvar) * eps
    # decoder GNN
    h = _gnn(z, [p["dec_W0"], p["dec_W1"], p["dec_W2"]], [p["dec_b0"], p["dec_b1"], p["dec_b2"]])
    # variational decoder layer with lognormal output distribution (use analytic mean)
    dmu = h @ p["vdec_Wmu"] + p["vdec_bmu"]
    dsig = jax.nn.softplus(h @ p["vdec_Wsig"] + p["vdec_bsig"])
    return jnp.exp(dmu + 0.5 * dsig ** 2)

if __name__ == "__main__":
    import jax
    _d = setup_inputs()
    print(jax.jit(kernel)(*tuple(_d.values())))

</pallas_src>

<mosaic_0001>
module attributes {stable_mosaic.version = 14 : i64} {
  func.func @_net_kernel(%arg0: i32, %arg1: memref<64x8x512xf32, #tpu.memory_space<vmem>>, %arg2: memref<64x8x256xf32, #tpu.memory_space<vmem>>, %arg3: memref<512x512xbf16, #tpu.memory_space<vmem>>, %arg4: memref<512x512xbf16, #tpu.memory_space<vmem>>, %arg5: memref<1x512xf32, #tpu.memory_space<vmem>>, %arg6: memref<512x384xbf16, #tpu.memory_space<vmem>>, %arg7: memref<512x384xbf16, #tpu.memory_space<vmem>>, %arg8: memref<1x384xf32, #tpu.memory_space<vmem>>, %arg9: memref<384x256xbf16, #tpu.memory_space<vmem>>, %arg10: memref<384x256xbf16, #tpu.memory_space<vmem>>, %arg11: memref<1x256xf32, #tpu.memory_space<vmem>>, %arg12: memref<256x256xbf16, #tpu.memory_space<vmem>>, %arg13: memref<1x256xf32, #tpu.memory_space<vmem>>, %arg14: memref<256x256xbf16, #tpu.memory_space<vmem>>, %arg15: memref<1x256xf32, #tpu.memory_space<vmem>>, %arg16: memref<256x384xbf16, #tpu.memory_space<vmem>>, %arg17: memref<256x384xbf16, #tpu.memory_space<vmem>>, %arg18: memref<1x384xf32, #tpu.memory_space<vmem>>, %arg19: memref<384x512xbf16, #tpu.memory_space<vmem>>, %arg20: memref<384x512xbf16, #tpu.memory_space<vmem>>, %arg21: memref<1x512xf32, #tpu.memory_space<vmem>>, %arg22: memref<512x512xbf16, #tpu.memory_space<vmem>>, %arg23: memref<512x512xbf16, #tpu.memory_space<vmem>>, %arg24: memref<1x512xf32, #tpu.memory_space<vmem>>, %arg25: memref<512x512xbf16, #tpu.memory_space<vmem>>, %arg26: memref<1x512xf32, #tpu.memory_space<vmem>>, %arg27: memref<512x512xbf16, #tpu.memory_space<vmem>>, %arg28: memref<1x512xf32, #tpu.memory_space<vmem>>, %arg29: memref<64x8x512xf32, #tpu.memory_space<vmem>>) attributes {dimension_semantics = [#tpu.dimension_semantics<parallel>], iteration_bounds = array<i64: 64>, scalar_prefetch = 0 : i64, scratch_operands = 0 : i64, tpu.core_type = #tpu.core_type<tc>, window_params = [{transform_indices = @transform_0, window_bounds = array<i64: 64, 8, 512>}, {transform_indices = @transform_1, window_bounds = array<i64: 64, 8, 256>}, {pipeline_mode = #tpu.pipeline_mode<synchronous>, transform_indices = @transform_2, window_bounds = array<i64: 512, 512>}, {pipeline_mode = #tpu.pipeline_mode<synchronous>, transform_indices = @transform_3, window_bounds = array<i64: 512, 512>}, {pipeline_mode = #tpu.pipeline_mode<synchronous>, transform_indices = @transform_4, window_bounds = array<i64: 1, 512>}, {pipeline_mode = #tpu.pipeline_mode<synchronous>, transform_indices = @transform_5, window_bounds = array<i64: 512, 384>}, {pipeline_mode = #tpu.pipeline_mode<synchronous>, transform_indices = @transform_6, window_bounds = array<i64: 512, 384>}, {pipeline_mode = #tpu.pipeline_mode<synchronous>, transform_indices = @transform_7, window_bounds = array<i64: 1, 384>}, {pipeline_mode = #tpu.pipeline_mode<synchronous>, transform_indices = @transform_8, window_bounds = array<i64: 384, 256>}, {pipeline_mode = #tpu.pipeline_mode<synchronous>, transform_indices = @transform_9, window_bounds = array<i64: 384, 256>}, {pipeline_mode = #tpu.pipeline_mode<synchronous>, transform_indices = @transform_10, window_bounds = array<i64: 1, 256>}, {pipeline_mode = #tpu.pipeline_mode<synchronous>, transform_indices = @transform_11, window_bounds = array<i64: 256, 256>}, {pipeline_mode = #tpu.pipeline_mode<synchronous>, transform_indices = @transform_12, window_bounds = array<i64: 1, 256>}, {pipeline_mode = #tpu.pipeline_mode<synchronous>, transform_indices = @transform_13, window_bounds = array<i64: 256, 256>}, {pipeline_mode = #tpu.pipeline_mode<synchronous>, transform_indices = @transform_14, window_bounds = array<i64: 1, 256>}, {pipeline_mode = #tpu.pipeline_mode<synchronous>, transform_indices = @transform_15, window_bounds = array<i64: 256, 384>}, {pipeline_mode = #tpu.pipeline_mode<synchronous>, transform_indices = @transform_16, window_bounds = array<i64: 256, 384>}, {pipeline_mode = #tpu.pipeline_mode<synchronous>, transform_indices = @transform_17, window_bounds = array<i64: 1, 384>}, {pipeline_mode = #tpu.pipeline_mode<synchronous>, transform_indices = @transform_18, window_bounds = array<i64: 384, 512>}, {pipeline_mode = #tpu.pipeline_mode<synchronous>, transform_indices = @transform_19, window_bounds = array<i64: 384, 512>}, {pipeline_mode = #tpu.pipeline_mode<synchronous>, transform_indices = @transform_20, window_bounds = array<i64: 1, 512>}, {pipeline_mode = #tpu.pipeline_mode<synchronous>, transform_indices = @transform_21, window_bounds = array<i64: 512, 512>}, {pipeline_mode = #tpu.pipeline_mode<synchronous>, transform_indices = @transform_22, window_bounds = array<i64: 512, 512>}, {pipeline_mode = #tpu.pipeline_mode<synchronous>, transform_indices = @transform_23, window_bounds = array<i64: 1, 512>}, {pipeline_mode = #tpu.pipeline_mode<synchronous>, transform_indices = @transform_24, window_bounds = array<i64: 512, 512>}, {pipeline_mode = #tpu.pipeline_mode<synchronous>, transform_indices = @transform_25, window_bounds = array<i64: 1, 512>}, {pipeline_mode = #tpu.pipeline_mode<synchronous>, transform_indices = @transform_26, window_bounds = array<i64: 512, 512>}, {pipeline_mode = #tpu.pipeline_mode<synchronous>, transform_indices = @transform_27, window_bounds = array<i64: 1, 512>}, {transform_indices = @transform_28, window_bounds = array<i64: 64, 8, 512>}]} {
    %get3A = arith.constant 0 : index
    %get3A_0 = arith.constant 0 : index
    %get3A_1 = arith.constant 0 : index
    %get3A_2 = vector.load %arg1[%get3A, %get3A_0, %get3A_1] : memref<64x8x512xf32, #tpu.memory_space<vmem>>, vector<64x8x512xf32>
    %slice3A = vector.extract_strided_slice %get3A_2 {offsets = [1, 0, 0], sizes = [63, 8, 512], strides = [1, 1, 1]} : vector<64x8x512xf32> to vector<63x8x512xf32>
    %slice3A_3 = vector.extract_strided_slice %get3A_2 {offsets = [0, 0, 0], sizes = [1, 8, 512], strides = [1, 1, 1]} : vector<64x8x512xf32> to vector<1x8x512xf32>
    %concatenate3A = tpu.concatenate %slice3A, %slice3A_3 in 0 : vector<63x8x512xf32>, vector<1x8x512xf32> -> vector<64x8x512xf32>
    %slice3A_4 = vector.extract_strided_slice %get3A_2 {offsets = [63, 0, 0], sizes = [1, 8, 512], strides = [1, 1, 1]} : vector<64x8x512xf32> to vector<1x8x512xf32>
    %slice3A_5 = vector.extract_strided_slice %get3A_2 {offsets = [0, 0, 0], sizes = [63, 8, 512], strides = [1, 1, 1]} : vector<64x8x512xf32> to vector<63x8x512xf32>
    %concatenate3A_6 = tpu.concatenate %slice3A_4, %slice3A_5 in 0 : vector<1x8x512xf32>, vector<63x8x512xf32> -> vector<64x8x512xf32>
    %add3A = arith.addf %concatenate3A, %concatenate3A_6 : vector<64x8x512xf32>
    %mul3A = arith.constant 5.000000e-01 : f32
    %mul3A_7 = vector.broadcast %mul3A : f32 to vector<64x8x512xf32>
    %mul3A_8 = arith.mulf %add3A, %mul3A_7 : vector<64x8x512xf32>
    %reshape3A = vector.shape_cast %get3A_2 : vector<64x8x512xf32> to vector<512x512xf32>
    %convert_element_type3A = arith.truncf %reshape3A : vector<512x512xf32> to vector<512x512xbf16>
    %get3A_9 = arith.constant 0 : index
    %get3A_10 = arith.constant 0 : index
    %get3A_11 = vector.load %arg3[%get3A_9, %get3A_10] : memref<512x512xbf16, #tpu.memory_space<vmem>>, vector<512x512xbf16>
    %dot_general3A = arith.constant dense<0.000000e+00> : vector<512x512xf32>
    %dot_general3A_12 = tpu.matmul %convert_element_type3A, %get3A_11, %dot_general3A {dimension_numbers = #tpu.dot_dimension_numbers<[1], [0], [0], [1], [0, 0, 1, 1], [], []>, transpose_lhs_hint = false} : vector<512x512xbf16>, vector<512x512xbf16>, vector<512x512xf32> -> vector<512x512xf32>
    %reshape3A_13 = vector.shape_cast %mul3A_8 : vector<64x8x512xf32> to vector<512x512xf32>
    %convert_element_type3A_14 = arith.truncf %reshape3A_13 : vector<512x512xf32> to vector<512x512xbf16>
    %get3A_15 = arith.constant 0 : index
    %get3A_16 = arith.constant 0 : index
    %get3A_17 = vector.load %arg4[%get3A_15, %get3A_16] : memref<512x512xbf16, #tpu.memory_space<vmem>>, vector<512x512xbf16>
    %dot_general3A_18 = arith.constant dense<0.000000e+00> : vector<512x512xf32>
    %dot_general3A_19 = tpu.matmul %convert_element_type3A_14, %get3A_17, %dot_general3A_18 {dimension_numbers = #tpu.dot_dimension_numbers<[1], [0], [0], [1], [0, 0, 1, 1], [], []>, transpose_lhs_hint = false} : vector<512x512xbf16>, vector<512x512xbf16>, vector<512x512xf32> -> vector<512x512xf32>
    %add3A_20 = arith.addf %dot_general3A_12, %dot_general3A_19 : vector<512x512xf32>
    %get3A_21 = arith.constant 0 : index
    %get3A_22 = arith.constant 0 : index
    %get3A_23 = vector.load %arg5[%get3A_21, %get3A_22] : memref<1x512xf32, #tpu.memory_space<vmem>>, vector<1x512xf32>
    %add3A_24 = vector.broadcast %get3A_23 : vector<1x512xf32> to vector<512x512xf32>
    %add3A_25 = arith.addf %add3A_20, %add3A_24 : vector<512x512xf32>
    %max3A = arith.constant 0.000000e+00 : f32
    %max3A_26 = vector.broadcast %max3A : f32 to vector<512x512xf32>
    %max3A_27 = arith.maximumf %add3A_25, %max3A_26 : vector<512x512xf32>
    %reshape3A_28 = vector.shape_cast %max3A_27 : vector<512x512xf32> to vector<64x8x512xf32>
    %slice3A_29 = vector.extract_strided_slice %reshape3A_28 {offsets = [1, 0, 0], sizes = [63, 8, 512], strides = [1, 1, 1]} : vector<64x8x512xf32> to vector<63x8x512xf32>
    %slice3A_30 = vector.extract_strided_slice %reshape3A_28 {offsets = [0, 0, 0], sizes = [1, 8, 512], strides = [1, 1, 1]} : vector<64x8x512xf32> to vector<1x8x512xf32>
    %concatenate3A_31 = tpu.concatenate %slice3A_29, %slice3A_30 in 0 : vector<63x8x512xf32>, vector<1x8x512xf32> -> vector<64x8x512xf32>
    %slice3A_32 = vector.extract_strided_slice %reshape3A_28 {offsets = [63, 0, 0], sizes = [1, 8, 512], strides = [1, 1, 1]} : vector<64x8x512xf32> to vector<1x8x512xf32>
    %slice3A_33 = vector.extract_strided_slice %reshape3A_28 {offsets = [0, 0, 0], sizes = [63, 8, 512], strides = [1, 1, 1]} : vector<64x8x512xf32> to vector<63x8x512xf32>
    %concatenate3A_34 = tpu.concatenate %slice3A_32, %slice3A_33 in 0 : vector<1x8x512xf32>, vector<63x8x512xf32> -> vector<64x8x512xf32>
    %add3A_35 = arith.addf %concatenate3A_31, %concatenate3A_34 : vector<64x8x512xf32>
    %mul3A_36 = arith.constant 5.000000e-01 : f32
    %mul3A_37 = vector.broadcast %mul3A_36 : f32 to vector<64x8x512xf32>
    %mul3A_38 = arith.mulf %add3A_35, %mul3A_37 : vector<64x8x512xf32>
    %reshape3A_39 = vector.shape_cast %reshape3A_28 : vector<64x8x512xf32> to vector<512x512xf32>
    %convert_element_type3A_40 = arith.truncf %reshape3A_39 : vector<512x512xf32> to vector<512x512xbf16>
    %get3A_41 = arith.constant 0 : index
    %get3A_42 = arith.constant 0 : index
    %get3A_43 = vector.load %arg6[%get3A_41, %get3A_42] : memref<512x384xbf16, #tpu.memory_space<vmem>>, vector<512x384xbf16>
    %dot_general3A_44 = arith.constant dense<0.000000e+00> : vector<512x384xf32>
    %dot_general3A_45 = tpu.matmul %convert_element_type3A_40, %get3A_43, %dot_general3A_44 {dimension_numbers = #tpu.dot_dimension_numbers<[1], [0], [0], [1], [0, 0, 1, 1], [], []>, transpose_lhs_hint = false} : vector<512x512xbf16>, vector<512x384xbf16>, vector<512x384xf32> -> vector<512x384xf32>
    %reshape3A_46 = vector.shape_cast %mul3A_38 : vector<64x8x512xf32> to vector<512x512xf32>
    %convert_element_type3A_47 = arith.truncf %reshape3A_46 : vector<512x512xf32> to vector<512x512xbf16>
    %get3A_48 = arith.constant 0 : index
    %get3A_49 = arith.constant 0 : index
    %get3A_50 = vector.load %arg7[%get3A_48, %get3A_49] : memref<512x384xbf16, #tpu.memory_space<vmem>>, vector<512x384xbf16>
    %dot_general3A_51 = arith.constant dense<0.000000e+00> : vector<512x384xf32>
    %dot_general3A_52 = tpu.matmul %convert_element_type3A_47, %get3A_50, %dot_general3A_51 {dimension_numbers = #tpu.dot_dimension_numbers<[1], [0], [0], [1], [0, 0, 1, 1], [], []>, transpose_lhs_hint = false} : vector<512x512xbf16>, vector<512x384xbf16>, vector<512x384xf32> -> vector<512x384xf32>
    %add3A_53 = arith.addf %dot_general3A_45, %dot_general3A_52 : vector<512x384xf32>
    %get3A_54 = arith.constant 0 : index
    %get3A_55 = arith.constant 0 : index
    %get3A_56 = vector.load %arg8[%get3A_54, %get3A_55] : memref<1x384xf32, #tpu.memory_space<vmem>>, vector<1x384xf32>
    %add3A_57 = vector.broadcast %get3A_56 : vector<1x384xf32> to vector<512x384xf32>
    %add3A_58 = arith.addf %add3A_53, %add3A_57 : vector<512x384xf32>
    %max3A_59 = arith.constant 0.000000e+00 : f32
    %max3A_60 = vector.broadcast %max3A_59 : f32 to vector<512x384xf32>
    %max3A_61 = arith.maximumf %add3A_58, %max3A_60 : vector<512x384xf32>
    %reshape3A_62 = vector.shape_cast %max3A_61 : vector<512x384xf32> to vector<64x8x384xf32>
    %slice3A_63 = vector.extract_strided_slice %reshape3A_62 {offsets = [1, 0, 0], sizes = [63, 8, 384], strides = [1, 1, 1]} : vector<64x8x384xf32> to vector<63x8x384xf32>
    %slice3A_64 = vector.extract_strided_slice %reshape3A_62 {offsets = [0, 0, 0], sizes = [1, 8, 384], strides = [1, 1, 1]} : vector<64x8x384xf32> to vector<1x8x384xf32>
    %concatenate3A_65 = tpu.concatenate %slice3A_63, %slice3A_64 in 0 : vector<63x8x384xf32>, vector<1x8x384xf32> -> vector<64x8x384xf32>
    %slice3A_66 = vector.extract_strided_slice %reshape3A_62 {offsets = [63, 0, 0], sizes = [1, 8, 384], strides = [1, 1, 1]} : vector<64x8x384xf32> to vector<1x8x384xf32>
    %slice3A_67 = vector.extract_strided_slice %reshape3A_62 {offsets = [0, 0, 0], sizes = [63, 8, 384], strides = [1, 1, 1]} : vector<64x8x384xf32> to vector<63x8x384xf32>
    %concatenate3A_68 = tpu.concatenate %slice3A_66, %slice3A_67 in 0 : vector<1x8x384xf32>, vector<63x8x384xf32> -> vector<64x8x384xf32>
    %add3A_69 = arith.addf %concatenate3A_65, %concatenate3A_68 : vector<64x8x384xf32>
    %mul3A_70 = arith.constant 5.000000e-01 : f32
    %mul3A_71 = vector.broadcast %mul3A_70 : f32 to vector<64x8x384xf32>
    %mul3A_72 = arith.mulf %add3A_69, %mul3A_71 : vector<64x8x384xf32>
    %reshape3A_73 = vector.shape_cast %reshape3A_62 : vector<64x8x384xf32> to vector<512x384xf32>
    %convert_element_type3A_74 = arith.truncf %reshape3A_73 : vector<512x384xf32> to vector<512x384xbf16>
    %get3A_75 = arith.constant 0 : index
    %get3A_76 = arith.constant 0 : index
    %get3A_77 = vector.load %arg9[%get3A_75, %get3A_76] : memref<384x256xbf16, #tpu.memory_space<vmem>>, vector<384x256xbf16>
    %dot_general3A_78 = arith.constant dense<0.000000e+00> : vector<512x256xf32>
    %dot_general3A_79 = tpu.matmul %convert_element_type3A_74, %get3A_77, %dot_general3A_78 {dimension_numbers = #tpu.dot_dimension_numbers<[1], [0], [0], [1], [0, 0, 1, 1], [], []>, transpose_lhs_hint = false} : vector<512x384xbf16>, vector<384x256xbf16>, vector<512x256xf32> -> vector<512x256xf32>
    %reshape3A_80 = vector.shape_cast %mul3A_72 : vector<64x8x384xf32> to vector<512x384xf32>
    %convert_element_type3A_81 = arith.truncf %reshape3A_80 : vector<512x384xf32> to vector<512x384xbf16>
    %get3A_82 = arith.constant 0 : index
    %get3A_83 = arith.constant 0 : index
    %get3A_84 = vector.load %arg10[%get3A_82, %get3A_83] : memref<384x256xbf16, #tpu.memory_space<vmem>>, vector<384x256xbf16>
    %dot_general3A_85 = arith.constant dense<0.000000e+00> : vector<512x256xf32>
    %dot_general3A_86 = tpu.matmul %convert_element_type3A_81, %get3A_84, %dot_general3A_85 {dimension_numbers = #tpu.dot_dimension_numbers<[1], [0], [0], [1], [0, 0, 1, 1], [], []>, transpose_lhs_hint = false} : vector<512x384xbf16>, vector<384x256xbf16>, vector<512x256xf32> -> vector<512x256xf32>
    %add3A_87 = arith.addf %dot_general3A_79, %dot_general3A_86 : vector<512x256xf32>
    %get3A_88 = arith.constant 0 : index
    %get3A_89 = arith.constant 0 : index
    %get3A_90 = vector.load %arg11[%get3A_88, %get3A_89] : memref<1x256xf32, #tpu.memory_space<vmem>>, vector<1x256xf32>
    %add3A_91 = vector.broadcast %get3A_90 : vector<1x256xf32> to vector<512x256xf32>
    %add3A_92 = arith.addf %add3A_87, %add3A_91 : vector<512x256xf32>
    %max3A_93 = arith.constant 0.000000e+00 : f32
    %max3A_94 = vector.broadcast %max3A_93 : f32 to vector<512x256xf32>
    %max3A_95 = arith.maximumf %add3A_92, %max3A_94 : vector<512x256xf32>
    %reshape3A_96 = vector.shape_cast %max3A_95 : vector<512x256xf32> to vector<64x8x256xf32>
    %reshape3A_97 = vector.shape_cast %reshape3A_96 : vector<64x8x256xf32> to vector<512x256xf32>
    %convert_element_type3A_98 = arith.truncf %reshape3A_97 : vector<512x256xf32> to vector<512x256xbf16>
    %get3A_99 = arith.constant 0 : index
    %get3A_100 = arith.constant 0 : index
    %get3A_101 = vector.load %arg12[%get3A_99, %get3A_100] : memref<256x256xbf16, #tpu.memory_space<vmem>>, vector<256x256xbf16>
    %dot_general3A_102 = arith.constant dense<0.000000e+00> : vector<512x256xf32>
    %dot_general3A_103 = tpu.matmul %convert_element_type3A_98, %get3A_101, %dot_general3A_102 {dimension_numbers = #tpu.dot_dimension_numbers<[1], [0], [0], [1], [0, 0, 1, 1], [], []>, transpose_lhs_hint = false} : vector<512x256xbf16>, vector<256x256xbf16>, vector<512x256xf32> -> vector<512x256xf32>
    %get3A_104 = arith.constant 0 : index
    %get3A_105 = arith.constant 0 : index
    %get3A_106 = vector.load %arg13[%get3A_104, %get3A_105] : memref<1x256xf32, #tpu.memory_space<vmem>>, vector<1x256xf32>
    %add3A_107 = vector.broadcast %get3A_106 : vector<1x256xf32> to vector<512x256xf32>
    %add3A_108 = arith.addf %dot_general3A_103, %add3A_107 : vector<512x256xf32>
    %convert_element_type3A_109 = arith.truncf %reshape3A_97 : vector<512x256xf32> to vector<512x256xbf16>
    %get3A_110 = arith.constant 0 : index
    %get3A_111 = arith.constant 0 : index
    %get3A_112 = vector.load %arg14[%get3A_110, %get3A_111] : memref<256x256xbf16, #tpu.memory_space<vmem>>, vector<256x256xbf16>
    %dot_general3A_113 = arith.constant dense<0.000000e+00> : vector<512x256xf32>
    %dot_general3A_114 = tpu.matmul %convert_element_type3A_109, %get3A_112, %dot_general3A_113 {dimension_numbers = #tpu.dot_dimension_numbers<[1], [0], [0], [1], [0, 0, 1, 1], [], []>, transpose_lhs_hint = false} : vector<512x256xbf16>, vector<256x256xbf16>, vector<512x256xf32> -> vector<512x256xf32>
    %get3A_115 = arith.constant 0 : index
    %get3A_116 = arith.constant 0 : index
    %get3A_117 = vector.load %arg15[%get3A_115, %get3A_116] : memref<1x256xf32, #tpu.memory_space<vmem>>, vector<1x256xf32>
    %add3A_118 = vector.broadcast %get3A_117 : vector<1x256xf32> to vector<512x256xf32>
    %add3A_119 = arith.addf %dot_general3A_114, %add3A_118 : vector<512x256xf32>
    %mul3A_120 = arith.constant 5.000000e-01 : f32
    %mul3A_121 = vector.broadcast %mul3A_120 : f32 to vector<512x256xf32>
    %mul3A_122 = arith.mulf %mul3A_121, %add3A_119 : vector<512x256xf32>
    %exp3A = math.exp %mul3A_122 : vector<512x256xf32>
    %get3A_123 = arith.constant 0 : index
    %get3A_124 = arith.constant 0 : index
    %get3A_125 = arith.constant 0 : index
    %get3A_126 = vector.load %arg2[%get3A_123, %get3A_124, %get3A_125] : memref<64x8x256xf32, #tpu.memory_space<vmem>>, vector<64x8x256xf32>
    %reshape3A_127 = vector.shape_cast %get3A_126 : vector<64x8x256xf32> to vector<512x256xf32>
    %mul3A_128 = arith.mulf %exp3A, %reshape3A_127 : vector<512x256xf32>
    %add3A_129 = arith.addf %add3A_108, %mul3A_128 : vector<512x256xf32>
    %reshape3A_130 = vector.shape_cast %add3A_129 : vector<512x256xf32> to vector<64x8x256xf32>
    %slice3A_131 = vector.extract_strided_slice %reshape3A_130 {offsets = [1, 0, 0], sizes = [63, 8, 256], strides = [1, 1, 1]} : vector<64x8x256xf32> to vector<63x8x256xf32>
    %slice3A_132 = vector.extract_strided_slice %reshape3A_130 {offsets = [0, 0, 0], sizes = [1, 8, 256], strides = [1, 1, 1]} : vector<64x8x256xf32> to vector<1x8x256xf32>
    %concatenate3A_133 = tpu.concatenate %slice3A_131, %slice3A_132 in 0 : vector<63x8x256xf32>, vector<1x8x256xf32> -> vector<64x8x256xf32>
    %slice3A_134 = vector.extract_strided_slice %reshape3A_130 {offsets = [63, 0, 0], sizes = [1, 8, 256], strides = [1, 1, 1]} : vector<64x8x256xf32> to vector<1x8x256xf32>
    %slice3A_135 = vector.extract_strided_slice %reshape3A_130 {offsets = [0, 0, 0], sizes = [63, 8, 256], strides = [1, 1, 1]} : vector<64x8x256xf32> to vector<63x8x256xf32>
    %concatenate3A_136 = tpu.concatenate %slice3A_134, %slice3A_135 in 0 : vector<1x8x256xf32>, vector<63x8x256xf32> -> vector<64x8x256xf32>
    %add3A_137 = arith.addf %concatenate3A_133, %concatenate3A_136 : vector<64x8x256xf32>
    %mul3A_138 = arith.constant 5.000000e-01 : f32
    %mul3A_139 = vector.broadcast %mul3A_138 : f32 to vector<64x8x256xf32>
    %mul3A_140 = arith.mulf %add3A_137, %mul3A_139 : vector<64x8x256xf32>
    %reshape3A_141 = vector.shape_cast %reshape3A_130 : vector<64x8x256xf32> to vector<512x256xf32>
    %convert_element_type3A_142 = arith.truncf %reshape3A_141 : vector<512x256xf32> to vector<512x256xbf16>
    %get3A_143 = arith.constant 0 : index
    %get3A_144 = arith.constant 0 : index
    %get3A_145 = vector.load %arg16[%get3A_143, %get3A_144] : memref<256x384xbf16, #tpu.memory_space<vmem>>, vector<256x384xbf16>
    %dot_general3A_146 = arith.constant dense<0.000000e+00> : vector<512x384xf32>
    %dot_general3A_147 = tpu.matmul %convert_element_type3A_142, %get3A_145, %dot_general3A_146 {dimension_numbers = #tpu.dot_dimension_numbers<[1], [0], [0], [1], [0, 0, 1, 1], [], []>, transpose_lhs_hint = false} : vector<512x256xbf16>, vector<256x384xbf16>, vector<512x384xf32> -> vector<512x384xf32>
    %reshape3A_148 = vector.shape_cast %mul3A_140 : vector<64x8x256xf32> to vector<512x256xf32>
    %convert_element_type3A_149 = arith.truncf %reshape3A_148 : vector<512x256xf32> to vector<512x256xbf16>
    %get3A_150 = arith.constant 0 : index
    %get3A_151 = arith.constant 0 : index
    %get3A_152 = vector.load %arg17[%get3A_150, %get3A_151] : memref<256x384xbf16, #tpu.memory_space<vmem>>, vector<256x384xbf16>
    %dot_general3A_153 = arith.constant dense<0.000000e+00> : vector<512x384xf32>
    %dot_general3A_154 = tpu.matmul %convert_element_type3A_149, %get3A_152, %dot_general3A_153 {dimension_numbers = #tpu.dot_dimension_numbers<[1], [0], [0], [1], [0, 0, 1, 1], [], []>, transpose_lhs_hint = false} : vector<512x256xbf16>, vector<256x384xbf16>, vector<512x384xf32> -> vector<512x384xf32>
    %add3A_155 = arith.addf %dot_general3A_147, %dot_general3A_154 : vector<512x384xf32>
    %get3A_156 = arith.constant 0 : index
    %get3A_157 = arith.constant 0 : index
    %get3A_158 = vector.load %arg18[%get3A_156, %get3A_157] : memref<1x384xf32, #tpu.memory_space<vmem>>, vector<1x384xf32>
    %add3A_159 = vector.broadcast %get3A_158 : vector<1x384xf32> to vector<512x384xf32>
    %add3A_160 = arith.addf %add3A_155, %add3A_159 : vector<512x384xf32>
    %max3A_161 = arith.constant 0.000000e+00 : f32
    %max3A_162 = vector.broadcast %max3A_161 : f32 to vector<512x384xf32>
    %max3A_163 = arith.maximumf %add3A_160, %max3A_162 : vector<512x384xf32>
    %reshape3A_164 = vector.shape_cast %max3A_163 : vector<512x384xf32> to vector<64x8x384xf32>
    %slice3A_165 = vector.extract_strided_slice %reshape3A_164 {offsets = [1, 0, 0], sizes = [63, 8, 384], strides = [1, 1, 1]} : vector<64x8x384xf32> to vector<63x8x384xf32>
    %slice3A_166 = vector.extract_strided_slice %reshape3A_164 {offsets = [0, 0, 0], sizes = [1, 8, 384], strides = [1, 1, 1]} : vector<64x8x384xf32> to vector<1x8x384xf32>
    %concatenate3A_167 = tpu.concatenate %slice3A_165, %slice3A_166 in 0 : vector<63x8x384xf32>, vector<1x8x384xf32> -> vector<64x8x384xf32>
    %slice3A_168 = vector.extract_strided_slice %reshape3A_164 {offsets = [63, 0, 0], sizes = [1, 8, 384], strides = [1, 1, 1]} : vector<64x8x384xf32> to vector<1x8x384xf32>
    %slice3A_169 = vector.extract_strided_slice %reshape3A_164 {offsets = [0, 0, 0], sizes = [63, 8, 384], strides = [1, 1, 1]} : vector<64x8x384xf32> to vector<63x8x384xf32>
    %concatenate3A_170 = tpu.concatenate %slice3A_168, %slice3A_169 in 0 : vector<1x8x384xf32>, vector<63x8x384xf32> -> vector<64x8x384xf32>
    %add3A_171 = arith.addf %concatenate3A_167, %concatenate3A_170 : vector<64x8x384xf32>
    %mul3A_172 = arith.constant 5.000000e-01 : f32
    %mul3A_173 = vector.broadcast %mul3A_172 : f32 to vector<64x8x384xf32>
    %mul3A_174 = arith.mulf %add3A_171, %mul3A_173 : vector<64x8x384xf32>
    %reshape3A_175 = vector.shape_cast %reshape3A_164 : vector<64x8x384xf32> to vector<512x384xf32>
    %convert_element_type3A_176 = arith.truncf %reshape3A_175 : vector<512x384xf32> to vector<512x384xbf16>
    %get3A_177 = arith.constant 0 : index
    %get3A_178 = arith.constant 0 : index
    %get3A_179 = vector.load %arg19[%get3A_177, %get3A_178] : memref<384x512xbf16, #tpu.memory_space<vmem>>, vector<384x512xbf16>
    %dot_general3A_180 = arith.constant dense<0.000000e+00> : vector<512x512xf32>
    %dot_general3A_181 = tpu.matmul %convert_element_type3A_176, %get3A_179, %dot_general3A_180 {dimension_numbers = #tpu.dot_dimension_numbers<[1], [0], [0], [1], [0, 0, 1, 1], [], []>, transpose_lhs_hint = false} : vector<512x384xbf16>, vector<384x512xbf16>, vector<512x512xf32> -> vector<512x512xf32>
    %reshape3A_182 = vector.shape_cast %mul3A_174 : vector<64x8x384xf32> to vector<512x384xf32>
    %convert_element_type3A_183 = arith.truncf %reshape3A_182 : vector<512x384xf32> to vector<512x384xbf16>
    %get3A_184 = arith.constant 0 : index
    %get3A_185 = arith.constant 0 : index
    %get3A_186 = vector.load %arg20[%get3A_184, %get3A_185] : memref<384x512xbf16, #tpu.memory_space<vmem>>, vector<384x512xbf16>
    %dot_general3A_187 = arith.constant dense<0.000000e+00> : vector<512x512xf32>
    %dot_general3A_188 = tpu.matmul %convert_element_type3A_183, %get3A_186, %dot_general3A_187 {dimension_numbers = #tpu.dot_dimension_numbers<[1], [0], [0], [1], [0, 0, 1, 1], [], []>, transpose_lhs_hint = false} : vector<512x384xbf16>, vector<384x512xbf16>, vector<512x512xf32> -> vector<512x512xf32>
    %add3A_189 = arith.addf %dot_general3A_181, %dot_general3A_188 : vector<512x512xf32>
    %get3A_190 = arith.constant 0 : index
    %get3A_191 = arith.constant 0 : index
    %get3A_192 = vector.load %arg21[%get3A_190, %get3A_191] : memref<1x512xf32, #tpu.memory_space<vmem>>, vector<1x512xf32>
    %add3A_193 = vector.broadcast %get3A_192 : vector<1x512xf32> to vector<512x512xf32>
    %add3A_194 = arith.addf %add3A_189, %add3A_193 : vector<512x512xf32>
    %max3A_195 = arith.constant 0.000000e+00 : f32
    %max3A_196 = vector.broadcast %max3A_195 : f32 to vector<512x512xf32>
    %max3A_197 = arith.maximumf %add3A_194, %max3A_196 : vector<512x512xf32>
    %reshape3A_198 = vector.shape_cast %max3A_197 : vector<512x512xf32> to vector<64x8x512xf32>
    %slice3A_199 = vector.extract_strided_slice %reshape3A_198 {offsets = [1, 0, 0], sizes = [63, 8, 512], strides = [1, 1, 1]} : vector<64x8x512xf32> to vector<63x8x512xf32>
    %slice3A_200 = vector.extract_strided_slice %reshape3A_198 {offsets = [0, 0, 0], sizes = [1, 8, 512], strides = [1, 1, 1]} : vector<64x8x512xf32> to vector<1x8x512xf32>
    %concatenate3A_201 = tpu.concatenate %slice3A_199, %slice3A_200 in 0 : vector<63x8x512xf32>, vector<1x8x512xf32> -> vector<64x8x512xf32>
    %slice3A_202 = vector.extract_strided_slice %reshape3A_198 {offsets = [63, 0, 0], sizes = [1, 8, 512], strides = [1, 1, 1]} : vector<64x8x512xf32> to vector<1x8x512xf32>
    %slice3A_203 = vector.extract_strided_slice %reshape3A_198 {offsets = [0, 0, 0], sizes = [63, 8, 512], strides = [1, 1, 1]} : vector<64x8x512xf32> to vector<63x8x512xf32>
    %concatenate3A_204 = tpu.concatenate %slice3A_202, %slice3A_203 in 0 : vector<1x8x512xf32>, vector<63x8x512xf32> -> vector<64x8x512xf32>
    %add3A_205 = arith.addf %concatenate3A_201, %concatenate3A_204 : vector<64x8x512xf32>
    %mul3A_206 = arith.constant 5.000000e-01 : f32
    %mul3A_207 = vector.broadcast %mul3A_206 : f32 to vector<64x8x512xf32>
    %mul3A_208 = arith.mulf %add3A_205, %mul3A_207 : vector<64x8x512xf32>
    %reshape3A_209 = vector.shape_cast %reshape3A_198 : vector<64x8x512xf32> to vector<512x512xf32>
    %convert_element_type3A_210 = arith.truncf %reshape3A_209 : vector<512x512xf32> to vector<512x512xbf16>
    %get3A_211 = arith.constant 0 : index
    %get3A_212 = arith.constant 0 : index
    %get3A_213 = vector.load %arg22[%get3A_211, %get3A_212] : memref<512x512xbf16, #tpu.memory_space<vmem>>, vector<512x512xbf16>
    %dot_general3A_214 = arith.constant dense<0.000000e+00> : vector<512x512xf32>
    %dot_general3A_215 = tpu.matmul %convert_element_type3A_210, %get3A_213, %dot_general3A_214 {dimension_numbers = #tpu.dot_dimension_numbers<[1], [0], [0], [1], [0, 0, 1, 1], [], []>, transpose_lhs_hint = false} : vector<512x512xbf16>, vector<512x512xbf16>, vector<512x512xf32> -> vector<512x512xf32>
    %reshape3A_216 = vector.shape_cast %mul3A_208 : vector<64x8x512xf32> to vector<512x512xf32>
    %convert_element_type3A_217 = arith.truncf %reshape3A_216 : vector<512x512xf32> to vector<512x512xbf16>
    %get3A_218 = arith.constant 0 : index
    %get3A_219 = arith.constant 0 : index
    %get3A_220 = vector.load %arg23[%get3A_218, %get3A_219] : memref<512x512xbf16, #tpu.memory_space<vmem>>, vector<512x512xbf16>
    %dot_general3A_221 = arith.constant dense<0.000000e+00> : vector<512x512xf32>
    %dot_general3A_222 = tpu.matmul %convert_element_type3A_217, %get3A_220, %dot_general3A_221 {dimension_numbers = #tpu.dot_dimension_numbers<[1], [0], [0], [1], [0, 0, 1, 1], [], []>, transpose_lhs_hint = false} : vector<512x512xbf16>, vector<512x512xbf16>, vector<512x512xf32> -> vector<512x512xf32>
    %add3A_223 = arith.addf %dot_general3A_215, %dot_general3A_222 : vector<512x512xf32>
    %get3A_224 = arith.constant 0 : index
    %get3A_225 = arith.constant 0 : index
    %get3A_226 = vector.load %arg24[%get3A_224, %get3A_225] : memref<1x512xf32, #tpu.memory_space<vmem>>, vector<1x512xf32>
    %add3A_227 = vector.broadcast %get3A_226 : vector<1x512xf32> to vector<512x512xf32>
    %add3A_228 = arith.addf %add3A_223, %add3A_227 : vector<512x512xf32>
    %max3A_229 = arith.constant 0.000000e+00 : f32
    %max3A_230 = vector.broadcast %max3A_229 : f32 to vector<512x512xf32>
    %max3A_231 = arith.maximumf %add3A_228, %max3A_230 : vector<512x512xf32>
    %reshape3A_232 = vector.shape_cast %max3A_231 : vector<512x512xf32> to vector<64x8x512xf32>
    %reshape3A_233 = vector.shape_cast %reshape3A_232 : vector<64x8x512xf32> to vector<512x512xf32>
    %convert_element_type3A_234 = arith.truncf %reshape3A_233 : vector<512x512xf32> to vector<512x512xbf16>
    %get3A_235 = arith.constant 0 : index
    %get3A_236 = arith.constant 0 : index
    %get3A_237 = vector.load %arg25[%get3A_235, %get3A_236] : memref<512x512xbf16, #tpu.memory_space<vmem>>, vector<512x512xbf16>
    %dot_general3A_238 = arith.constant dense<0.000000e+00> : vector<512x512xf32>
    %dot_general3A_239 = tpu.matmul %convert_element_type3A_234, %get3A_237, %dot_general3A_238 {dimension_numbers = #tpu.dot_dimension_numbers<[1], [0], [0], [1], [0, 0, 1, 1], [], []>, transpose_lhs_hint = false} : vector<512x512xbf16>, vector<512x512xbf16>, vector<512x512xf32> -> vector<512x512xf32>
    %get3A_240 = arith.constant 0 : index
    %get3A_241 = arith.constant 0 : index
    %get3A_242 = vector.load %arg26[%get3A_240, %get3A_241] : memref<1x512xf32, #tpu.memory_space<vmem>>, vector<1x512xf32>
    %add3A_243 = vector.broadcast %get3A_242 : vector<1x512xf32> to vector<512x512xf32>
    %add3A_244 = arith.addf %dot_general3A_239, %add3A_243 : vector<512x512xf32>
    %convert_element_type3A_245 = arith.truncf %reshape3A_233 : vector<512x512xf32> to vector<512x512xbf16>
    %get3A_246 = arith.constant 0 : index
    %get3A_247 = arith.constant 0 : index
    %get3A_248 = vector.load %arg27[%get3A_246, %get3A_247] : memref<512x512xbf16, #tpu.memory_space<vmem>>, vector<512x512xbf16>
    %dot_general3A_249 = arith.constant dense<0.000000e+00> : vector<512x512xf32>
    %dot_general3A_250 = tpu.matmul %convert_element_type3A_245, %get3A_248, %dot_general3A_249 {dimension_numbers = #tpu.dot_dimension_numbers<[1], [0], [0], [1], [0, 0, 1, 1], [], []>, transpose_lhs_hint = false} : vector<512x512xbf16>, vector<512x512xbf16>, vector<512x512xf32> -> vector<512x512xf32>
    %get3A_251 = arith.constant 0 : index
    %get3A_252 = arith.constant 0 : index
    %get3A_253 = vector.load %arg28[%get3A_251, %get3A_252] : memref<1x512xf32, #tpu.memory_space<vmem>>, vector<1x512xf32>
    %add3A_254 = vector.broadcast %get3A_253 : vector<1x512xf32> to vector<512x512xf32>
    %add3A_255 = arith.addf %dot_general3A_250, %add3A_254 : vector<512x512xf32>
    %custom_jvp_call3A = arith.constant 0.000000e+00 : f32
    %max3A_256 = vector.broadcast %custom_jvp_call3A : f32 to vector<512x512xf32>
    %max3A_257 = arith.maximumf %add3A_255, %max3A_256 : vector<512x512xf32>
    %sub3A = vector.broadcast %custom_jvp_call3A : f32 to vector<512x512xf32>
    %sub3A_258 = arith.subf %add3A_255, %sub3A : vector<512x512xf32>
    %ne3A = arith.cmpf one, %sub3A_258, %sub3A_258 : vector<512x512xf32>
    %add3A_259 = vector.broadcast %custom_jvp_call3A : f32 to vector<512x512xf32>
    %add3A_260 = arith.addf %add3A_255, %add3A_259 : vector<512x512xf32>
    %abs3A = math.absf %sub3A_258 : vector<512x512xf32>
    %neg3A = arith.constant 0.000000e+00 : f32
    %neg3A_261 = vector.broadcast %neg3A : f32 to vector<512x512xf32>
    %neg3A_262 = arith.subf %neg3A_261, %abs3A : vector<512x512xf32>
    %exp3A_263 = math.exp %neg3A_262 : vector<512x512xf32>
    %log1p3A = math.log1p %exp3A_263 : vector<512x512xf32>
    %add3A_264 = arith.addf %max3A_257, %log1p3A : vector<512x512xf32>
    %select_n3A = arith.select %ne3A, %add3A_260, %add3A_264 : vector<512x512xi1>, vector<512x512xf32>
    %mul3A_265 = arith.constant 5.000000e-01 : f32
    %mul3A_266 = vector.broadcast %mul3A_265 : f32 to vector<512x512xf32>
    %mul3A_267 = arith.mulf %mul3A_266, %select_n3A : vector<512x512xf32>
    %mul3A_268 = arith.mulf %mul3A_267, %select_n3A : vector<512x512xf32>
    %add3A_269 = arith.addf %add3A_244, %mul3A_268 : vector<512x512xf32>
    %exp3A_270 = math.exp %add3A_269 : vector<512x512xf32>
    %reshape3A_271 = vector.shape_cast %exp3A_270 : vector<512x512xf32> to vector<64x8x512xf32>
    %swap3A = arith.constant 0 : index
    %swap3A_272 = arith.constant 0 : index
    %swap3A_273 = arith.constant 0 : index
    %swap3A_274 = vector.load %arg29[%swap3A, %swap3A_272, %swap3A_273] : memref<64x8x512xf32, #tpu.memory_space<vmem>>, vector<64x8x512xf32>
    tpu.vector_store %arg29[%swap3A, %swap3A_272, %swap3A_273], %reshape3A_271 {strides = array<i32>} : memref<64x8x512xf32, #tpu.memory_space<vmem>>, vector<64x8x512xf32>,
    return
  }
  func.func @transform_0(%arg0: i32) -> (i32, i32, i32) {
    %c0_i32 = arith.constant 0 : i32
    %c0_i32_0 = arith.constant 0 : i32
    %c0_i32_1 = arith.constant 0 : i32
    return %c0_i32, %arg0, %c0_i32_0 : i32, i32, i32
  }
  func.func @transform_1(%arg0: i32) -> (i32, i32, i32) {
    %c0_i32 = arith.constant 0 : i32
    %c0_i32_0 = arith.constant 0 : i32
    %c0_i32_1 = arith.constant 0 : i32
    return %c0_i32, %arg0, %c0_i32_0 : i32, i32, i32
  }
  func.func @transform_2(%arg0: i32) -> (i32, i32) {
    %c0_i32 = arith.constant 0 : i32
    %c0_i32_0 = arith.constant 0 : i32
    %c0_i32_1 = arith.constant 0 : i32
    return %c0_i32, %c0_i32_0 : i32, i32
  }
  func.func @transform_3(%arg0: i32) -> (i32, i32) {
    %c0_i32 = arith.constant 0 : i32
    %c0_i32_0 = arith.constant 0 : i32
    %c0_i32_1 = arith.constant 0 : i32
    return %c0_i32, %c0_i32_0 : i32, i32
  }
  func.func @transform_4(%arg0: i32) -> (i32, i32) {
    %c0_i32 = arith.constant 0 : i32
    %c0_i32_0 = arith.constant 0 : i32
    %c0_i32_1 = arith.constant 0 : i32
    return %c0_i32, %c0_i32_0 : i32, i32
  }
  func.func @transform_5(%arg0: i32) -> (i32, i32) {
    %c0_i32 = arith.constant 0 : i32
    %c0_i32_0 = arith.constant 0 : i32
    %c0_i32_1 = arith.constant 0 : i32
    return %c0_i32, %c0_i32_0 : i32, i32
  }
  func.func @transform_6(%arg0: i32) -> (i32, i32) {
    %c0_i32 = arith.constant 0 : i32
    %c0_i32_0 = arith.constant 0 : i32
    %c0_i32_1 = arith.constant 0 : i32
    return %c0_i32, %c0_i32_0 : i32, i32
  }
  func.func @transform_7(%arg0: i32) -> (i32, i32) {
    %c0_i32 = arith.constant 0 : i32
    %c0_i32_0 = arith.constant 0 : i32
    %c0_i32_1 = arith.constant 0 : i32
    return %c0_i32, %c0_i32_0 : i32, i32
  }
  func.func @transform_8(%arg0: i32) -> (i32, i32) {
    %c0_i32 = arith.constant 0 : i32
    %c0_i32_0 = arith.constant 0 : i32
    %c0_i32_1 = arith.constant 0 : i32
    return %c0_i32, %c0_i32_0 : i32, i32
  }
  func.func @transform_9(%arg0: i32) -> (i32, i32) {
    %c0_i32 = arith.constant 0 : i32
    %c0_i32_0 = arith.constant 0 : i32
    %c0_i32_1 = arith.constant 0 : i32
    return %c0_i32, %c0_i32_0 : i32, i32
  }
  func.func @transform_10(%arg0: i32) -> (i32, i32) {
    %c0_i32 = arith.constant 0 : i32
    %c0_i32_0 = arith.constant 0 : i32
    %c0_i32_1 = arith.constant 0 : i32
    return %c0_i32, %c0_i32_0 : i32, i32
  }
  func.func @transform_11(%arg0: i32) -> (i32, i32) {
    %c0_i32 = arith.constant 0 : i32
    %c0_i32_0 = arith.constant 0 : i32
    %c0_i32_1 = arith.constant 0 : i32
    return %c0_i32, %c0_i32_0 : i32, i32
  }
  func.func @transform_12(%arg0: i32) -> (i32, i32) {
    %c0_i32 = arith.constant 0 : i32
    %c0_i32_0 = arith.constant 0 : i32
    %c0_i32_1 = arith.constant 0 : i32
    return %c0_i32, %c0_i32_0 : i32, i32
  }
  func.func @transform_13(%arg0: i32) -> (i32, i32) {
    %c0_i32 = arith.constant 0 : i32
    %c0_i32_0 = arith.constant 0 : i32
    %c0_i32_1 = arith.constant 0 : i32
    return %c0_i32, %c0_i32_0 : i32, i32
  }
  func.func @transform_14(%arg0: i32) -> (i32, i32) {
    %c0_i32 = arith.constant 0 : i32
    %c0_i32_0 = arith.constant 0 : i32
    %c0_i32_1 = arith.constant 0 : i32
    return %c0_i32, %c0_i32_0 : i32, i32
  }
  func.func @transform_15(%arg0: i32) -> (i32, i32) {
    %c0_i32 = arith.constant 0 : i32
    %c0_i32_0 = arith.constant 0 : i32
    %c0_i32_1 = arith.constant 0 : i32
    return %c0_i32, %c0_i32_0 : i32, i32
  }
  func.func @transform_16(%arg0: i32) -> (i32, i32) {
    %c0_i32 = arith.constant 0 : i32
    %c0_i32_0 = arith.constant 0 : i32
    %c0_i32_1 = arith.constant 0 : i32
    return %c0_i32, %c0_i32_0 : i32, i32
  }
  func.func @transform_17(%arg0: i32) -> (i32, i32) {
    %c0_i32 = arith.constant 0 : i32
    %c0_i32_0 = arith.constant 0 : i32
    %c0_i32_1 = arith.constant 0 : i32
    return %c0_i32, %c0_i32_0 : i32, i32
  }
  func.func @transform_18(%arg0: i32) -> (i32, i32) {
    %c0_i32 = arith.constant 0 : i32
    %c0_i32_0 = arith.constant 0 : i32
    %c0_i32_1 = arith.constant 0 : i32
    return %c0_i32, %c0_i32_0 : i32, i32
  }
  func.func @transform_19(%arg0: i32) -> (i32, i32) {
    %c0_i32 = arith.constant 0 : i32
    %c0_i32_0 = arith.constant 0 : i32
    %c0_i32_1 = arith.constant 0 : i32
    return %c0_i32, %c0_i32_0 : i32, i32
  }
  func.func @transform_20(%arg0: i32) -> (i32, i32) {
    %c0_i32 = arith.constant 0 : i32
    %c0_i32_0 = arith.constant 0 : i32
    %c0_i32_1 = arith.constant 0 : i32
    return %c0_i32, %c0_i32_0 : i32, i32
  }
  func.func @transform_21(%arg0: i32) -> (i32, i32) {
    %c0_i32 = arith.constant 0 : i32
    %c0_i32_0 = arith.constant 0 : i32
    %c0_i32_1 = arith.constant 0 : i32
    return %c0_i32, %c0_i32_0 : i32, i32
  }
  func.func @transform_22(%arg0: i32) -> (i32, i32) {
    %c0_i32 = arith.constant 0 : i32
    %c0_i32_0 = arith.constant 0 : i32
    %c0_i32_1 = arith.constant 0 : i32
    return %c0_i32, %c0_i32_0 : i32, i32
  }
  func.func @transform_23(%arg0: i32) -> (i32, i32) {
    %c0_i32 = arith.constant 0 : i32
    %c0_i32_0 = arith.constant 0 : i32
    %c0_i32_1 = arith.constant 0 : i32
    return %c0_i32, %c0_i32_0 : i32, i32
  }
  func.func @transform_24(%arg0: i32) -> (i32, i32) {
    %c0_i32 = arith.constant 0 : i32
    %c0_i32_0 = arith.constant 0 : i32
    %c0_i32_1 = arith.constant 0 : i32
    return %c0_i32, %c0_i32_0 : i32, i32
  }
  func.func @transform_25(%arg0: i32) -> (i32, i32) {
    %c0_i32 = arith.constant 0 : i32
    %c0_i32_0 = arith.constant 0 : i32
    %c0_i32_1 = arith.constant 0 : i32
    return %c0_i32, %c0_i32_0 : i32, i32
  }
  func.func @transform_26(%arg0: i32) -> (i32, i32) {
    %c0_i32 = arith.constant 0 : i32
    %c0_i32_0 = arith.constant 0 : i32
    %c0_i32_1 = arith.constant 0 : i32
    return %c0_i32, %c0_i32_0 : i32, i32
  }
  func.func @transform_27(%arg0: i32) -> (i32, i32) {
    %c0_i32 = arith.constant 0 : i32
    %c0_i32_0 = arith.constant 0 : i32
    %c0_i32_1 = arith.constant 0 : i32
    return %c0_i32, %c0_i32_0 : i32, i32
  }
  func.func @transform_28(%arg0: i32) -> (i32, i32, i32) {
    %c0_i32 = arith.constant 0 : i32
    %c0_i32_0 = arith.constant 0 : i32
    %c0_i32_1 = arith.constant 0 : i32
    return %c0_i32, %arg0, %c0_i32_0 : i32, i32, i32
  }
}

</mosaic_0001>

<sc_bundles>
// kernel: sparse-core-data-format-call.cloned.1.call-start
scs
called_computation_lowered:
.L_overlay_start_0:
0x0: {  	s2 =	sld [smem:$0x3FD9]  }
0x1: {  	s3 =	sld [smem:$0x3FFE];
	_ =	sdelay $0x1  }
0x2: {  	s1 =	srdreg.scid  }
0x3: {  	s0 =	sand.u32 $0x1, s1  }
0x4: {  	s18 =	sshll.u32 s0, $0xA;
	s2 =	sadd.s32 s3, s2  }
0x5: {  	s2 =	sadd.s32 s2, s18  }
0x6: {  	[smem:$0x3FB3] =	sst s2  }
0x7: {  	_ = 	snop  }
0x8: {  	s2 =	sld [smem:$0x3FD0];
	(tm) =	ssettm $0x1  }
0x9: {  	s19 =	sld [smem:$0x3FFB];
	_ =	sdelay $0x3  }
0xa: {  	_ =	strace s19  }
0xb: {  	s3 =	sld [smem:$0x3FFC];
	_ =	sdelay $0x3  }
0xc: {  	_ =	strace s3  }
0xd: {  	s3 =	sld [smem:$0x3FFD];
	_ =	sdelay $0x3  }
0xe: {  	_ =	strace s3  }
0xf: {  	_ =	strace $0x8FFFFFFF  }
0x10: {  	s20 =	sld [smem:$0x3FDB];
	_ =	sdelay $0x1  }
0x11: {  	s4 =	simm.s32 $_scs_section_size  }
0x12: {  	s5 =	simm.s32 $_size__tile_overlayer_lowered;
	s6 =	simm.s32 $_tile_overlayer_lowered  }
0x13: {  	s23 =	simm.s32 $0x1BFF;
	s22 =	sshll.u32 s6, $0x1;
	s3 =	sadd.s32 s4, s20  }
0x14: {  	s7 =	simm.s32 $0x0;
	s21 =	sshll.u32 s5, $0x1;
	s5 =	sadd.s32 s22, s3  }
0x15: {  	[timem:s7], [sflag:s23] =	dma.local [hbm:s5], s21  }
0x16: {  	_ =	swait.ge [sflag:s23], s21  }
0x17: {  	s4 =	ssub.s32 $0x0, s21;
	[sflag:s23] =	ssyncset.done $0x0  }
0x18: {  	[sflag:s23] =	ssyncadd.s32 s4;
	_ =	sdelay $0x1  }
0x19: {  	s24 =	simm.s32 $0x1B8B  }
0x1a: {  	_ =	swait.ge [sflag:s24], $0x1  }
0x1b: {  	[sflag:s24] =	ssyncset.done $0x0  }
0x1c: {  	s26 =	simm.s32 $0x1B8E;
	s25 =	sld [smem:$0x3FFE];
	[sflag:s24] =	ssyncadd.s32 $0xFFFFFFFF  }
0x1d: {  	s27 =	simm.s32 $execute0_lowered;
	[smem:$0x3FD2] =	sst s26  }
0x1e: {  	s5 =	sshll.u32 s27, $0x1;
	_ =	strace $0x80000046;
	[dreg:$0x1] =	wrdreg $0xFFFFFFFF  }
0x1f: {  	s28 =	simm.s32 $_size_execute0_lowered;
	s3 =	sadd.s32 s3, s5;
	[dreg:$0x0] =	wrdreg $0x0  }
0x20: {  	s5 =	sshll.u32 s28, $0x1;
	[dreg:$0x2] =	wrdreg s3  }
0x21: {  	[dreg:$0x3] =	wrdreg s5  }
0x22: {  	[dreg:$0x4] =	wrdreg $0xC0  }
0x23: {  	_ =	task [dreg:s7], $0x5FFFF  }
0x24: {  	[dreg:$0x1] =	wrdreg $0xFFFFFFFF  }
0x25: {  	[dreg:$0x0] =	wrdreg $0x60  }
0x26: {  	[dreg:$0x2] =	wrdreg s25  }
0x27: {  	[dreg:$0x3] =	wrdreg s2  }
0x28: {  	[dreg:$0x4] =	wrdreg $0x9  }
0x29: {  	_ =	task.clear_ibuf [dreg:s7], $0x5FFFF;
	_ =	strace $0x90000046  }
0x2a: {  	s29 =	simm.s32 $0x9;
	_ =	strace $0x80000048  }
0x2b: {  	_ =	swait.ge [sflag:s29], $0x1  }
0x2c: {  	[sflag:s29] =	ssyncadd.s32 $0xFFFFFFFF  }
0x2d: {  	_ =	strace $0x90000048  }
0x2e: {  	_ =	sfence  }
0x2f: {  	s30 =	sld [smem:$0x0];
	_ =	sdelay $0x2  }
0x30: {  	s31 =	sshll.u32 s1, $0xD;
	s1 =	sshrl.u32 s1, $0x2  }
0x31: {  	s3 =	sand.u32 $0x4000, s31;
	s1 =	sadd.s32 s1, s30  }
0x32: {  	s0 =	sor.u32 s3, s0;
	s1 =	sshll.u32 s1, $0x11  }
0x33: {  	s0 =	sor.u32 s1, s0  }
0x34: {  	s0 =	sadd.s32 $0x8F2B, s0  }
0x35: {  	[sflag:s0] =	ssyncadd.remote.s32 $0x1  }
0x36: {  	_ =	sfence.sel $0xFFFF  }
0x37: {  	[dreg:$0x0] =	wrdreg $0xFFFFFFFF;
	(pc) =	sbr.abs _section_cstart, $3  }
0x38: {  	[dreg:$0x1] =	wrdreg $0xFFFFFFFF  }
0x39: {  	_ =	task.clear_ibuf [dreg:s7], $0x2FFFF;
	_ =	strace $0x9FFFFFFF  }
0x3a: {  	(tm) =	ssettm $0x7FFFFFFF  }
0x3b: {  	_ =	shalt  }
tec
execute0_lowered:
.L_overlay_start_1:
0x0: {  	(tag) =	ssettag $0x1  }
0x1: {  	s1 =	rddreg [dreg:$0x0]  }
0x2: {  	s2 =	rddreg [dreg:$0x1]  }
0x3: {  	s0 =	rddreg [dreg:$0x2]  }
0x4: {  	s4 =	srdreg.scid;
	_ =	strace $0x80000047;
	s6 =	simm.s32 $0x2  }
0x5: {  	s11 =	simm.s32 $0x0;
	p0 =	por $0x0, $0x0;
	s12 =	simm.s32 $0x0  }
.Ltmp0:
0x6: {  	s13 =	simm.s32 $0x0;
	s8 =	simm.s32 $0x0;
	(pc) =	sbr.rel .LBB1_1-.Ltmp0, $4  }
0x7: {  	s9 =	simm.s32 $0x0;
	s3 =	sadd.s32 $0x101C00, s1;
	s4 =	sshll.u32 s4, $0x4  }
0x8: {  	s1 =	stileid.u32;
	s5 =	sand.u32 $0x10, s4;
	s4 =	simm.s32 $0x1  }
0x9: {  	s7 =	simm.s32 $0x0;
	s5 =	sor.u32 s1, s5;
	[sflag:s4] =	ssyncpa.u1 $0x0  }
0xa: {  	[sflag:s6] =	ssyncpa.u1 $0x0;
	s6 =	simm.s32 $0x8000;
	s10 =	smov.u32 s5  }
.LBB1_5:
0xb: {  	s14 =	sadd.s32 $0x80, s8  }
0xc: {  	s11 =	sadd.s32 $0x80, s9;
	s15 =	smov.u32 s9;
	p2 =	sgt.s32 s14, $0x1FF  }
0xd: {  	s15 =	smov.u32 @p2 s11  }
0xe: {  	s17 =	smov.u32 s10;
	s11 =	sadd.s32 $0x20, s10;
	p3 =	sgt.s32 s15, $0x1FF  }
0xf: {  	p1 =	slt.u32 s7, $0x2;
	s17 =	smov.u32 @p3 s11  }
0x10: {  	s7 =	sadd.s32 $0x1, s7;
	s14 =	simm.s32 @p2 $0x0;
	p2 =	sgt.s32 s17, $0x3F  }
0x11: {  	s17 =	smov.u32 @p2 s5;
	p2 =	sne.s32 s7, $0x22  }
.Ltmp1:
0x12: {  	s16 =	simm.s32 @!p1 $0x2;
	(pc) =	sbr.rel @!p2 .LBB1_6-.Ltmp1, $4  }
0x13: {  	s12 =	smov.u32 s9;
	_ =	swait.ge @!p1 [sflag:s16], $0x4000  }
0x14: {  	s13 =	smov.u32 s10;
	p0 =	por !p0, !p0;
	[sflag:s16] =	ssyncset.done @!p1 $0x0  }
0x15: {  	s15 =	simm.s32 @p3 $0x0;
	s11 =	smov.u32 s8;
	[sflag:s16] =	ssyncadd.s32 @!p1 $0xFFFFC000  }
0x16: {  	s8 =	smov.u32 s14;
	s9 =	smov.u32 s15;
	s10 =	smov.u32 s17  }
.LBB1_1:
0x17: {  	p1 =	sgt.u32 s7, $0x1F  }
0x18: {  	s14 =	sxor.u32 @!p1 $0xFFFFFFFF, s7  }
0x19: {  	s15 =	sshll.u32 @!p1 s9, $0x9;
	s16 =	sshll.u32 @!p1 s8, $0x3;
	s17 =	sshll.u32 @!p1 s9, $0x7  }
0x1a: {  	s18 =	sand.u32 @!p1 $0x78, s8;
	s15 =	sand.u32 @!p1 $0x3F000, s15;
	s16 =	sand.u32 @!p1 $0x3FC00, s16  }
0x1b: {  	s14 =	sshll.u32 @!p1 s14, $0xE;
	s15 =	sadd.s32 @!p1 s15, s16;
	s16 =	sand.u32 @!p1 $0x200, s17  }
0x1c: {  	s14 =	sand.u32 @!p1 $0x4000, s14;
	s15 =	sor.u32 @!p1 s16, s15;
	s16 =	sand.u32 @!p1 $0x180, s17  }
0x1d: {  	s17 =	sshll.u32 @!p1 s10, $0xF;
	s16 =	sor.u32 @!p1 s18, s16;
	s15 =	sshrl.u32 @!p1 s15, $0x3  }
0x1e: {  	s17 =	sadd.s32 @!p1 s3, s17;
	s18 =	sand.u32 @!p1 $0x7, s8;
	s16 =	sshrl.u32 @!p1 s16, $0x3  }
0x1f: {  	s15 =	sand.u32 @!p1 $0x7FC0, s15;
	s16 =	sadd.s32 @!p1 s16, s17;
	s17 =	sshll.u32 @!p1 s18, $0x12  }
0x20: {  	s15 =	sadd.s32 @!p1 s15, s16;
	s16 =	sor.u32 @!p1 $0x400, s17;
	s17 =	simm.s32 @!p1 $0x1000  }
0x21: {  	[tilespmem:s14], [sflag:$0x1] =	stream.strided.gather @!p1 [hbm4b:s15+s16], $0x4000, s17, s16, $0x38;
	[tilespmem:$0x10000] =	vst v63  }
0x22: {  	p1 =	seq.s32 s7, $0x0  }
0x23: {  	p2 =	seq.s32 @!p1 s7, $0x21  }
0x24: {  	p1 =	por p1, p2  }
.Ltmp2:
0x25: {  	_ = 	snop;
	(pc) =	sbr.rel @p1 .LBB1_5-.Ltmp2, $1  }
0x26: {  	_ =	sdelay $0x3  }
0x27: {  	s14 =	simm.s32 $0x1  }
0x28: {  	s14 =	simm.s32 @!p0 $0x0  }
0x29: {  	s14 =	sshll.u32 s14, $0xE  }
0x2a: {  	s15 =	sor.u32 $0x40, s14  }
0x2b: {  	v1 =	vmov s15;
	_ =	sdelay $0x1  }
0x2c: {  	_ =	swait.ge [sflag:s4], $0x4000  }
0x2d: {  	[sflag:s4] =	ssyncset.done $0x0  }
0x2e: {  	s16 =	simm.s32 $0x0;
	[sflag:s4] =	ssyncadd.s32 $0xFFFFC000  }
0x2f: {  	s14 =	sor.u32 $0x8070, s14;
	v7 =	vld.idx.msk [tilespmem:v1+s16+$0x30 ss:$0x1], $0xffff  }
0x30: {  	v0 =	vmov s14;
	v8 =	vld.idx.msk [tilespmem:v1+s16+$0xFFFFFFC0 ss:$0x1], $0xffff  }
0x31: {  	v6 =	vld.idx.msk [tilespmem:v1+s16+$0xFFFFFFD0 ss:$0x1], $0xffff  }
0x32: {  	v4 =	vld.idx.msk [tilespmem:v1+s16+$0xFFFFFFE0 ss:$0x1], $0xffff  }
0x33: {  	v2 =	vld.idx.msk [tilespmem:v1+s16+$0xFFFFFFF0 ss:$0x1], $0xffff  }
0x34: {  	s31 =	sshll.u32 s7, $0xE;
	v3 =	vld.idx.msk [tilespmem:v1+s16+$0x0 ss:$0x1], $0xffff  }
0x35: {  	s14 =	sand.u32 $0x4000, s31;
	v5 =	vld.idx.msk [tilespmem:v1+s16+$0x10 ss:$0x1], $0xffff;
	[tilespmem:v0+s16+$0x0 ss:$0x1] =	vst.idx.msk $0xffff, v7  }
0x36: {  	s17 =	simm.s32 $0x400;
	s15 =	simm.s32 $0x80;
	s14 =	sor.u32 $0x8000, s14;
	[tilespmem:v0+s16+$0xFFFFFF90 ss:$0x1] =	vst.idx.msk $0xffff, v8;
	v7 =	vld.idx.msk [tilespmem:v1+s16+$0x20 ss:$0x1], $0xffff  }
.LBB1_3:
0x37: {  	p1 =	sne.s32 s17, $0xFE00;
	v8 =	vld.idx.msk [tilespmem:v1+s15+$0x30 ss:$0x1], $0xffff;
	[tilespmem:v0+s16+$0xFFFFFFA0 ss:$0x1] =	vst.idx.msk $0xffff, v6  }
0x38: {  	v9 =	vld.idx.msk [tilespmem:v1+s15+$0xFFFFFFC0 ss:$0x1], $0xffff;
	[tilespmem:v0+s16+$0xFFFFFFB0 ss:$0x1] =	vst.idx.msk $0xffff, v4  }
0x39: {  	v6 =	vld.idx.msk [tilespmem:v1+s15+$0xFFFFFFD0 ss:$0x1], $0xffff;
	[tilespmem:v0+s16+$0xFFFFFFC0 ss:$0x1] =	vst.idx.msk $0xffff, v2  }
.Ltmp3:
0x3a: {  	v4 =	vld.idx.msk [tilespmem:v1+s15+$0xFFFFFFE0 ss:$0x1], $0xffff;
	[tilespmem:v0+s16+$0xFFFFFFD0 ss:$0x1] =	vst.idx.msk $0xffff, v3;
	(pc) =	sbr.rel @p1 .LBB1_3-.Ltmp3, $4  }
0x3b: {  	v2 =	vld.idx.msk [tilespmem:v1+s15+$0xFFFFFFF0 ss:$0x1], $0xffff;
	[tilespmem:v0+s16+$0xFFFFFFE0 ss:$0x1] =	vst.idx.msk $0xffff, v5  }
0x3c: {  	v3 =	vld.idx.msk [tilespmem:v1+s15+$0x0 ss:$0x1], $0xffff;
	[tilespmem:v0+s16+$0xFFFFFFF0 ss:$0x1] =	vst.idx.msk $0xffff, v7;
	s16 =	smov.u32 s15  }
0x3d: {  	v5 =	vld.idx.msk [tilespmem:v1+s16+$0x10 ss:$0x1], $0xffff;
	[tilespmem:v0+s16+$0x0 ss:$0x1] =	vst.idx.msk $0xffff, v8  }
0x3e: {  	s15 =	sshra.s32 s17, $0x2;
	s17 =	sadd.s32 $0x200, s17;
	[tilespmem:v0+s16+$0xFFFFFF90 ss:$0x1] =	vst.idx.msk $0xffff, v9;
	v7 =	vld.idx.msk [tilespmem:v1+s16+$0x20 ss:$0x1], $0xffff  }
0x3f: {  	_ =	sdelay $0x3  }
0x40: {  	[tilespmem:v0+s16+$0xFFFFFFA0 ss:$0x1] =	vst.idx.msk $0xffff, v6  }
0x41: {  	v56 =	vld.idx.msk [tilespmem:v1+s15+$0x30 ss:$0x1], $0xffff;
	[tilespmem:v0+s16+$0xFFFFFFB0 ss:$0x1] =	vst.idx.msk $0xffff, v4  }
0x42: {  	v57 =	vld.idx.msk [tilespmem:v1+s15+$0xFFFFFFC0 ss:$0x1], $0xffff;
	[tilespmem:v0+s16+$0xFFFFFFC0 ss:$0x1] =	vst.idx.msk $0xffff, v2  }
0x43: {  	v58 =	vld.idx.msk [tilespmem:v1+s15+$0xFFFFFFD0 ss:$0x1], $0xffff;
	[tilespmem:v0+s16+$0xFFFFFFD0 ss:$0x1] =	vst.idx.msk $0xffff, v3  }
0x44: {  	v59 =	vld.idx.msk [tilespmem:v1+s15+$0xFFFFFFE0 ss:$0x1], $0xffff;
	[tilespmem:v0+s16+$0xFFFFFFE0 ss:$0x1] =	vst.idx.msk $0xffff, v5  }
0x45: {  	v60 =	vld.idx.msk [tilespmem:v1+s15+$0xFFFFFFF0 ss:$0x1], $0xffff;
	[tilespmem:v0+s16+$0xFFFFFFF0 ss:$0x1] =	vst.idx.msk $0xffff, v7  }
0x46: {  	v61 =	vld.idx.msk [tilespmem:v1+s15+$0x0 ss:$0x1], $0xffff;
	s27 =	sshll.u32 s13, $0x9;
	s17 =	sshll.u32 s11, $0x3;
	[tilespmem:v0+s15+$0x0 ss:$0x1] =	vst.idx.msk $0xffff, v56  }
0x47: {  	v62 =	vld.idx.msk [tilespmem:v1+s15+$0x10 ss:$0x1], $0xffff;
	s28 =	sshll.u32 s13, $0x7;
	s30 =	sand.u32 $0x78, s11;
	s12 =	sshll.u32 s12, $0xC;
	[tilespmem:v0+s15+$0xFFFFFF90 ss:$0x1] =	vst.idx.msk $0xffff, v57  }
0x48: {  	v63 =	vld.idx.msk [tilespmem:v1+s15+$0x20 ss:$0x1], $0xffff;
	s31 =	sand.u32 $0x7, s11;
	s17 =	sand.u32 $0x7C00, s17;
	s16 =	sand.u32 $0x7000, s27;
	[tilespmem:v0+s15+$0xFFFFFFA0 ss:$0x1] =	vst.idx.msk $0xffff, v58  }
0x49: {  	s29 =	sand.u32 $0x200, s28;
	s13 =	sand.u32 $0x180, s28;
	s16 =	sadd.s32 s16, s17;
	[tilespmem:v0+s15+$0xFFFFFFB0 ss:$0x1] =	vst.idx.msk $0xffff, v59  }
.Ltmp4:
0x4a: {  	s13 =	sor.u32 s13, s30;
	[tilespmem:v0+s15+$0xFFFFFFC0 ss:$0x1] =	vst.idx.msk $0xffff, v60;
	s16 =	sor.u32 s29, s16;
	(pc) =	sbr.rel .LBB1_5-.Ltmp4, $4  }
0x4b: {  	s12 =	sadd.s32 s2, s12;
	s13 =	sshrl.u32 s13, $0x3;
	[tilespmem:v0+s15+$0xFFFFFFD0 ss:$0x1] =	vst.idx.msk $0xffff, v61;
	s16 =	sshrl.u32 s16, $0x3  }
0x4c: {  	s11 =	sshll.u32 s31, $0x12;
	s12 =	sadd.s32 s13, s12;
	[tilespmem:v0+s15+$0xFFFFFFE0 ss:$0x1] =	vst.idx.msk $0xffff, v62;
	s16 =	sand.u32 $0xFC0, s16  }
0x4d: {  	s11 =	sor.u32 $0x80, s11;
	[tilespmem:v0+s15+$0xFFFFFFF0 ss:$0x1] =	vst.idx.msk $0xffff, v63;
	s12 =	sadd.s32 s16, s12  }
0x4e: {  	[hbm4b:s12+s11] =	stream.strided.scatter [tilespmem:s14], [sflag:$0x2], $0x4000, s6, s11, $0x38;
	[tilespmem:$0x10000] =	vst v63  }
.LBB1_6:
0x4f: {  	_ =	sfence.sel $0x180000  }
0x50: {  	s2 =	simm.s32 $0x1;
	[bflag:$0x0] =	sbarrier.arrive $0xFFFF  }
0x51: {  	s31 =	simm.s32 $0x2;
	[sflag:s2] =	ssyncpa.u1 $0x1  }
0x52: {  	[sflag:s31] =	ssyncpa.u1 $0x1  }
0x53: {  	p0 =	sne.s32 s1, $0x0;
	_ =	strace $0x90000047  }
0x54: {  	s0 =	sadd.s32 @!p0 $0x100000, s0;
	[bflag:$0x2] =	sbarrier.arrive $0xFFFF  }
0x55: {  	[sflag:s0] =	ssyncadd.tile.s32 @!p0 $0x1;
	_ =	shalt  }
.Lfunc_end1:
_tile_overlayer_lowered:
.L_overlay_start_2:
0x56: {  	(tag) =	ssettag $0x2  }
0x57: {  	s0 =	rddreg [dreg:$0x0];
	s2 =	stileid.u32  }
0x58: {  	s1 =	rddreg [dreg:$0x1];
	p0 =	sne.s32 s2, $0x0  }
0x59: {  	s3 =	rddreg [dreg:$0x2];
	[bflag:$0x3] =	sbarrier.arrive $0xFFFF;
	s2 =	simm.s32 @!p0 $0x1C01  }
0x5a: {  	[timem:s3], [sflag:s2] =	dma.local @!p0 [hbm:s0], s1  }
0x5b: {  	s0 =	simm.s32 @!p0 $0x1  }
0x5c: {  	_ =	swait.ge @!p0 [sflag:s0], s1  }
0x5d: {  	s1 =	ssub.s32 @!p0 $0x0, s1;
	[sflag:s0] =	ssyncset.done @!p0 $0x0  }
0x5e: {  	[sflag:s0] =	ssyncadd.s32 @!p0 s1  }
0x5f: {  	[bflag:$0x3] =	sbarrier.arrive $0xFFFF  }
0x60: {  	_ =	shalt  }

</sc_bundles>
